<compile_context>
chip_gen: v7x
topology: tpu7x:2x2x1
jax: 0.10.2.dev20260603
libtpu: 0.0.44.dev20260713+nightly
codegen_flags: <defaults>
</compile_context>

<pallas_src>
import functools

import jax
import jax.numpy as jnp
from jax import lax
from jax.experimental import pallas as pl
from jax.experimental.pallas import tpu as pltpu
from jax.experimental.pallas import tpu_sc as plsc

_BLANK = 0
_SEQ = 2048
_BATCH = 16
_ALPHA = 1024
_LANES = 16
_SBLK = 128


def _argmax_block(x_ref, o_ref):
    xb = x_ref[...]
    m = jnp.max(xb, axis=2, keepdims=True)
    idx = lax.broadcasted_iota(jnp.int32, xb.shape, 2).astype(jnp.float32)
    ml = jnp.min(jnp.where(xb == m, idx, float(_ALPHA)), axis=2)
    o_ref[...] = ml.astype(jnp.int32).T


def _argmax_tc(x):
    seq, batch, alpha = x.shape
    return pl.pallas_call(
        _argmax_block,
        grid=(seq // _SBLK,),
        in_specs=[pl.BlockSpec((_SBLK, batch, alpha), lambda i: (i, 0, 0))],
        out_specs=pl.BlockSpec((batch, _SBLK), lambda i: (0, i)),
        out_shape=jax.ShapeDtypeStruct((batch, seq), jnp.int32),
    )(x)


def _splat(v, lane):
    return v.at[jnp.full((_LANES,), lane, jnp.int32)].get(
        mode="promise_in_bounds"
    )


def _collapse_body(ml_hbm, len_hbm, tok_hbm, lenout_hbm, row_v, out_v, len_v, tmp_v):
    wid = lax.axis_index("s") * 2 + lax.axis_index("c")

    @pl.when(wid < _BATCH)
    def _():
        b = wid
        pltpu.sync_copy(ml_hbm.at[b], row_v)
        pltpu.sync_copy(len_hbm, len_v)
        lanes = lax.iota(jnp.int32, _LANES)
        lane0 = lanes == 0
        prev_sel = jnp.maximum(lanes - 1, 0)
        lenb = plsc.load_gather(len_v, [jnp.full((_LANES,), b, jnp.int32)])

        def step(c, carry):
            rt, pv = carry
            base = c * _LANES
            out_v[pl.ds(base, _LANES)] = jnp.full((_LANES,), -1, jnp.int32)
            v = row_v[pl.ds(base, _LANES)]
            gpos = base + lanes
            shifted = v.at[prev_sel].get(mode="promise_in_bounds")
            prevv = jnp.where(lane0, pv, shifted)
            keep = (v != _BLANK) & ((prevv == _BLANK) | (v != prevv)) & (gpos < lenb)
            cs = plsc.cumsum(keep.astype(jnp.int32))
            pos = rt + cs - 1
            dest = jnp.where(keep, pos, 0)
            plsc.store_scatter(out_v, [dest], v, mask=keep)
            return rt + _splat(cs, _LANES - 1), _splat(v, _LANES - 1)

        rt, _ = lax.fori_loop(
            0,
            _SEQ // _LANES,
            step,
            (jnp.zeros((_LANES,), jnp.int32), jnp.full((_LANES,), _BLANK, jnp.int32)),
        )
        pltpu.sync_copy(out_v, tok_hbm.at[b])
        tmp_v[...] = rt
        pltpu.sync_copy(tmp_v, lenout_hbm.at[b])


@functools.cache
def _collapse_sc():
    return pl.kernel(
        _collapse_body,
        out_type=[
            jax.ShapeDtypeStruct((_BATCH, _SEQ), jnp.int32),
            jax.ShapeDtypeStruct((_BATCH, _LANES), jnp.int32),
        ],
        mesh=plsc.VectorSubcoreMesh(core_axis_name="c", subcore_axis_name="s"),
        compiler_params=pltpu.CompilerParams(needs_layout_passes=False),
        scratch_types=[
            pltpu.VMEM((_SEQ,), jnp.int32),
            pltpu.VMEM((_SEQ,), jnp.int32),
            pltpu.VMEM((_LANES,), jnp.int32),
            pltpu.VMEM((_LANES,), jnp.int32),
        ],
    )


@jax.jit
def kernel(x, lengths):
    ml = _argmax_tc(x)
    tok, lenm = _collapse_sc()(ml, lengths)
    return tok, lenm[:, 0]

# --- scband reference (transcript-rebuilt; emitter-appended) ---
"""Pipeline reference for scband-ctcgreedy-decoder-23665269801320 (READ-ONLY COPY).

The authoritative reference and input builder live on the scoring server;
editing this copy changes nothing except your own understanding.
"""

import jax, jax.numpy as jnp
import numpy as np

BLANK_INDEX = 0


def setup_inputs(seed: int = 0) -> dict:
    key = jax.random.key(seed)
    k1, k2 = jax.random.split(key)
    x = jax.random.normal(k1, (2048, 16, 1024), dtype=jnp.float32)
    lengths = jax.random.randint(k2, (16,), 0, 2048, dtype=jnp.int32)
    return {"x": x, "lengths": lengths}


def reference(x, lengths):
    # CTC greedy decode, vectorized but faithful to the torch loop semantics.
    # Ragged List[List[int]] output is represented as a -1-padded token matrix
    # plus per-batch decoded lengths.
    blank = BLANK_INDEX
    seq_len, batch, _ = x.shape
    ml = jnp.argmax(x, axis=2).T  # [batch, seq_len], most likely symbol per step
    # prev symbol at step i (prev=None at i=0 behaves like prev==blank in the keep rule)
    prev = jnp.concatenate([jnp.full((batch, 1), blank, dtype=ml.dtype), ml[:, :-1]], axis=1)
    valid = jnp.arange(seq_len)[None, :] < lengths[:, None]
    # keep symb iff symb != blank and (prev is None or prev == blank or symb != prev)
    keep = (ml != blank) & ((prev == blank) | (ml != prev)) & valid
    pos = jnp.cumsum(keep.astype(jnp.int32), axis=1) - 1  # compacted write position
    dest = jnp.where(keep, pos, seq_len)  # dropped symbols go to a dummy slot
    out = jnp.full((batch, seq_len + 1), -1, dtype=jnp.int32)
    batch_idx = jnp.arange(batch)[:, None]
    out = out.at[batch_idx, dest].set(ml.astype(jnp.int32))
    out_tokens = out[:, :seq_len]  # [batch, seq_len], -1 padded
    out_lengths = jnp.sum(keep, axis=1).astype(jnp.int32)  # [batch]
    return out_tokens, out_lengths

if __name__ == "__main__":
    import jax
    _d = setup_inputs()
    print(jax.jit(kernel)(*tuple(_d.values())))

</pallas_src>

<mosaic_0001>
#map = affine_map<(d0, d1) -> (0, 0)>
#map1 = affine_map<(d0, d1) -> (0)>
module attributes {stable_mosaic.version = 14 : i64} {
  func.func @_collapse_body(%arg0: i32, %arg1: i32, %arg2: memref<16x2048xi32, #tpu.memory_space<hbm>>, %arg3: memref<16xi32, #tpu.memory_space<hbm>>, %arg4: memref<16x2048xi32, #tpu.memory_space<hbm>>, %arg5: memref<16x16xi32, #tpu.memory_space<hbm>>, %arg6: memref<2048xi32, #tpu.memory_space<vmem>>, %arg7: memref<2048xi32, #tpu.memory_space<vmem>>, %arg8: memref<16xi32, #tpu.memory_space<vmem>>, %arg9: memref<16xi32, #tpu.memory_space<vmem>>) attributes {dimension_semantics = [#tpu.dimension_semantics<core_parallel>, #tpu.dimension_semantics<subcore_parallel>], iteration_bounds = array<i64: 2, 16>, scalar_prefetch = 0 : i64, scratch_operands = 4 : i64, tpu.core_type = #tpu.core_type<sc_vector_subcore>, window_params = [{transform_indices = #map}, {transform_indices = #map1}, {transform_indices = #map}, {transform_indices = #map}]} {
    %mul3A = arith.constant 2 : i32
    %mul3A_0 = arith.muli %arg1, %mul3A : i32
    %add3A = arith.addi %mul3A_0, %arg0 : i32
    %lt3A = arith.constant 16 : i32
    %lt3A_1 = arith.cmpi slt, %add3A, %lt3A : i32
    %convert_element_type3A = arith.extui %lt3A_1 : i1 to i32
    %cond3A = arith.constant 0 : i32
    %cond3A_2 = arith.cmpi ne, %convert_element_type3A, %cond3A : i32
    scf.if %cond3A_2 {
      "tpu.region"() ({
        %run_scoped3A = tpu.sem_alloc : memref<!tpu.dma_semaphore, #tpu.memory_space<semaphore_mem>>
        %dma_start3A = arith.constant 0 : i32
        %dma_start3A_19 = tpu.memref_slice %arg2[%add3A, %dma_start3A] : memref<16x2048xi32, #tpu.memory_space<hbm>> -> memref<1x2048xi32, #tpu.memory_space<hbm>>
        %dma_start3A_20 = tpu.memref_squeeze %dma_start3A_19 : memref<1x2048xi32, #tpu.memory_space<hbm>> -> memref<2048xi32, #tpu.memory_space<hbm>>
        %dma_start3A_21 = arith.constant 0 : i32
        %dma_start3A_22 = tpu.memref_slice %arg2[%add3A, %dma_start3A_21] : memref<16x2048xi32, #tpu.memory_space<hbm>> -> memref<1x2048xi32, #tpu.memory_space<hbm>>
        %dma_start3A_23 = tpu.memref_squeeze %dma_start3A_22 : memref<1x2048xi32, #tpu.memory_space<hbm>> -> memref<2048xi32, #tpu.memory_space<hbm>>
        tpu.enqueue_dma source(%dma_start3A_23 : memref<2048xi32, #tpu.memory_space<hbm>>) target(%arg6 : memref<2048xi32, #tpu.memory_space<vmem>>) target_semaphore(%run_scoped3A : memref<!tpu.dma_semaphore, #tpu.memory_space<semaphore_mem>>)
        %dma_wait3A = arith.constant 0 : i32
        %dma_wait3A_24 = tpu.memref_slice %arg2[%add3A, %dma_wait3A] : memref<16x2048xi32, #tpu.memory_space<hbm>> -> memref<1x2048xi32, #tpu.memory_space<hbm>>
        %dma_wait3A_25 = tpu.memref_squeeze %dma_wait3A_24 : memref<1x2048xi32, #tpu.memory_space<hbm>> -> memref<2048xi32, #tpu.memory_space<hbm>>
        %dma_wait3A_26 = arith.constant 0 : i32
        %dma_wait3A_27 = tpu.memref_slice %arg2[%add3A, %dma_wait3A_26] : memref<16x2048xi32, #tpu.memory_space<hbm>> -> memref<1x2048xi32, #tpu.memory_space<hbm>>
        %dma_wait3A_28 = tpu.memref_squeeze %dma_wait3A_27 : memref<1x2048xi32, #tpu.memory_space<hbm>> -> memref<2048xi32, #tpu.memory_space<hbm>>
        tpu.wait_dma2 semaphore(%run_scoped3A : memref<!tpu.dma_semaphore, #tpu.memory_space<semaphore_mem>>) src(%dma_wait3A_28 : memref<2048xi32, #tpu.memory_space<hbm>>) dst(%arg6 : memref<2048xi32, #tpu.memory_space<vmem>>)
        tpu.yield
      }) : () -> ()
      "tpu.region"() ({
        %run_scoped3A = tpu.sem_alloc : memref<!tpu.dma_semaphore, #tpu.memory_space<semaphore_mem>>
        tpu.enqueue_dma source(%arg3 : memref<16xi32, #tpu.memory_space<hbm>>) target(%arg8 : memref<16xi32, #tpu.memory_space<vmem>>) target_semaphore(%run_scoped3A : memref<!tpu.dma_semaphore, #tpu.memory_space<semaphore_mem>>)
        tpu.wait_dma2 semaphore(%run_scoped3A : memref<!tpu.dma_semaphore, #tpu.memory_space<semaphore_mem>>) src(%arg3 : memref<16xi32, #tpu.memory_space<hbm>>) dst(%arg8 : memref<16xi32, #tpu.memory_space<vmem>>)
        tpu.yield
      }) : () -> ()
      %iota3A = tpu.iota {dimensions = array<i32: 0>} : vector<16xi32>
      %eq3A = arith.constant 0 : i32
      %eq3A_3 = vector.broadcast %eq3A : i32 to vector<16xi32>
      %eq3A_4 = arith.cmpi eq, %iota3A, %eq3A_3 : vector<16xi32>
      %sub3A = arith.constant 1 : i32
      %sub3A_5 = vector.broadcast %sub3A : i32 to vector<16xi32>
      %sub3A_6 = arith.subi %iota3A, %sub3A_5 : vector<16xi32>
      %max3A = arith.constant 0 : i32
      %max3A_7 = vector.broadcast %max3A : i32 to vector<16xi32>
      %max3A_8 = arith.maxsi %sub3A_6, %max3A_7 : vector<16xi32>
      %broadcast_in_dim3A = vector.broadcast %add3A : i32 to vector<16xi32>
      %gather3A = tpu.vector_load_idx %arg8[%broadcast_in_dim3A] : memref<16xi32, #tpu.memory_space<vmem>>[vector<16xi32>], vector<16xi32>,
      %broadcast_in_dim3A_9 = arith.constant 0 : i32
      %broadcast_in_dim3A_10 = vector.broadcast %broadcast_in_dim3A_9 : i32 to vector<16xi32>
      %broadcast_in_dim3A_11 = arith.constant 0 : i32
      %broadcast_in_dim3A_12 = vector.broadcast %broadcast_in_dim3A_11 : i32 to vector<16xi32>
      %scan3A = arith.constant 0 : i32
      %scan3A_13 = arith.constant 128 : i32
      %scan3A_14 = arith.addi %scan3A, %scan3A_13 : i32
      %scan3A_15 = arith.constant 1 : i32
      %scan3A_16:2 = scf.for %scan3A_19 = %scan3A to %scan3A_14 step %scan3A_15 iter_args(%scan3A_20 = %broadcast_in_dim3A_10, %scan3A_21 = %broadcast_in_dim3A_12) -> (vector<16xi32>, vector<16xi32>)  : i32 {
        %mul3A_22 = arith.constant 16 : i32
        %mul3A_23 = arith.muli %scan3A_19, %mul3A_22 : i32
        %broadcast_in_dim3A_24 = arith.constant -1 : i32
        %broadcast_in_dim3A_25 = vector.broadcast %broadcast_in_dim3A_24 : i32 to vector<16xi32>
        %swap3A_26 = arith.index_cast %mul3A_23 : i32 to index
        %swap3A_27 = tpu.vector_load %arg7[%swap3A_26] {strides = array<i32>} : memref<2048xi32, #tpu.memory_space<vmem>>, vector<16xi32>,
        tpu.vector_store %arg7[%swap3A_26], %broadcast_in_dim3A_25 {strides = array<i32>} : memref<2048xi32, #tpu.memory_space<vmem>>, vector<16xi32>,
        %get3A = arith.index_cast %mul3A_23 : i32 to index
        %get3A_28 = tpu.vector_load %arg6[%get3A] {strides = array<i32>} : memref<2048xi32, #tpu.memory_space<vmem>>, vector<16xi32>,
        %add3A_29 = vector.broadcast %mul3A_23 : i32 to vector<16xi32>
        %add3A_30 = arith.addi %add3A_29, %iota3A : vector<16xi32>
        %lt3A_31 = arith.constant 0 : i32
        %lt3A_32 = vector.broadcast %lt3A_31 : i32 to vector<16xi32>
        %lt3A_33 = arith.cmpi slt, %max3A_8, %lt3A_32 : vector<16xi32>
        %add3A_34 = arith.constant 16 : i32
        %add3A_35 = vector.broadcast %add3A_34 : i32 to vector<16xi32>
        %add3A_36 = arith.addi %max3A_8, %add3A_35 : vector<16xi32>
        %select_n3A = arith.select %lt3A_33, %add3A_36, %max3A_8 : vector<16xi1>, vector<16xi32>
        %broadcast_in_dim3A_37 = vector.shape_cast %select_n3A : vector<16xi32> to vector<16x1xi32>
        %gather3A_38 = vector.shape_cast %broadcast_in_dim3A_37 : vector<16x1xi32> to vector<16xi32>
        %gather3A_39 = tpu.dynamic_gather %get3A_28[%gather3A_38] in [0] : vector<16xi32>, vector<16xi32> -> vector<16xi32>
        %select_n3A_40 = arith.select %eq3A_4, %scan3A_21, %gather3A_39 : vector<16xi1>, vector<16xi32>
        %ne3A = arith.constant 0 : i32
        %ne3A_41 = vector.broadcast %ne3A : i32 to vector<16xi32>
        %ne3A_42 = arith.cmpi ne, %get3A_28, %ne3A_41 : vector<16xi32>
        %eq3A_43 = arith.constant 0 : i32
        %eq3A_44 = vector.broadcast %eq3A_43 : i32 to vector<16xi32>
        %eq3A_45 = arith.cmpi eq, %select_n3A_40, %eq3A_44 : vector<16xi32>
        %ne3A_46 = arith.cmpi ne, %get3A_28, %select_n3A_40 : vector<16xi32>
        %or3A = arith.ori %eq3A_45, %ne3A_46 : vector<16xi1>
        %and3A = arith.andi %ne3A_42, %or3A : vector<16xi1>
        %lt3A_47 = arith.cmpi slt, %add3A_30, %gather3A : vector<16xi32>
        %and3A_48 = arith.andi %and3A, %lt3A_47 : vector<16xi1>
        %convert_element_type3A_49 = arith.extui %and3A_48 : vector<16xi1> to vector<16xi32>
        %broadcast_in_dim3A_50 = arith.constant true
        %broadcast_in_dim3A_51 = vector.broadcast %broadcast_in_dim3A_50 : i1 to vector<16xi1>
        %masked_cumsum3A = tpu.scan <sum>, %convert_element_type3A_49 masked %broadcast_in_dim3A_51 : vector<16xi32>, vector<16xi1> -> vector<16xi32>
        %add3A_52 = arith.addi %scan3A_20, %masked_cumsum3A : vector<16xi32>
        %sub3A_53 = arith.constant 1 : i32
        %sub3A_54 = vector.broadcast %sub3A_53 : i32 to vector<16xi32>
        %sub3A_55 = arith.subi %add3A_52, %sub3A_54 : vector<16xi32>
        %jit3A = arith.constant 0 : i32
        %broadcast_in_dim3A_56 = vector.broadcast %jit3A : i32 to vector<16xi32>
        %select_n3A_57 = arith.select %and3A_48, %sub3A_55, %broadcast_in_dim3A_56 : vector<16xi1>, vector<16xi32>
        tpu.vector_store_idx %arg7[%select_n3A_57], %get3A_28 masked %and3A_48 : memref<2048xi32, #tpu.memory_space<vmem>>[vector<16xi32>], vector<16xi32>, vector<16xi1>
        %broadcast_in_dim3A_58 = arith.constant 15 : i32
        %broadcast_in_dim3A_59 = vector.broadcast %broadcast_in_dim3A_58 : i32 to vector<16xi32>
        %lt3A_60 = arith.constant 0 : i32
        %lt3A_61 = vector.broadcast %lt3A_60 : i32 to vector<16xi32>
        %lt3A_62 = arith.cmpi slt, %broadcast_in_dim3A_59, %lt3A_61 : vector<16xi32>
        %add3A_63 = arith.constant 16 : i32
        %add3A_64 = vector.broadcast %add3A_63 : i32 to vector<16xi32>
        %add3A_65 = arith.addi %broadcast_in_dim3A_59, %add3A_64 : vector<16xi32>
        %select_n3A_66 = arith.select %lt3A_62, %add3A_65, %broadcast_in_dim3A_59 : vector<16xi1>, vector<16xi32>
        %broadcast_in_dim3A_67 = vector.shape_cast %select_n3A_66 : vector<16xi32> to vector<16x1xi32>
        %gather3A_68 = vector.shape_cast %broadcast_in_dim3A_67 : vector<16x1xi32> to vector<16xi32>
        %gather3A_69 = tpu.dynamic_gather %masked_cumsum3A[%gather3A_68] in [0] : vector<16xi32>, vector<16xi32> -> vector<16xi32>
        %add3A_70 = arith.addi %scan3A_20, %gather3A_69 : vector<16xi32>
        %broadcast_in_dim3A_71 = arith.constant 15 : i32
        %broadcast_in_dim3A_72 = vector.broadcast %broadcast_in_dim3A_71 : i32 to vector<16xi32>
        %lt3A_73 = arith.constant 0 : i32
        %lt3A_74 = vector.broadcast %lt3A_73 : i32 to vector<16xi32>
        %lt3A_75 = arith.cmpi slt, %broadcast_in_dim3A_72, %lt3A_74 : vector<16xi32>
        %add3A_76 = arith.constant 16 : i32
        %add3A_77 = vector.broadcast %add3A_76 : i32 to vector<16xi32>
        %add3A_78 = arith.addi %broadcast_in_dim3A_72, %add3A_77 : vector<16xi32>
        %select_n3A_79 = arith.select %lt3A_75, %add3A_78, %broadcast_in_dim3A_72 : vector<16xi1>, vector<16xi32>
        %broadcast_in_dim3A_80 = vector.shape_cast %select_n3A_79 : vector<16xi32> to vector<16x1xi32>
        %gather3A_81 = vector.shape_cast %broadcast_in_dim3A_80 : vector<16x1xi32> to vector<16xi32>
        %gather3A_82 = tpu.dynamic_gather %get3A_28[%gather3A_81] in [0] : vector<16xi32>, vector<16xi32> -> vector<16xi32>
        scf.yield %add3A_70, %gather3A_82 : vector<16xi32>, vector<16xi32>
      }
      %scan3A_17 = arith.constant 128 : i32
      "tpu.region"() ({
        %run_scoped3A = tpu.sem_alloc : memref<!tpu.dma_semaphore, #tpu.memory_space<semaphore_mem>>
        %dma_start3A = arith.constant 0 : i32
        %dma_start3A_19 = tpu.memref_slice %arg4[%add3A, %dma_start3A] : memref<16x2048xi32, #tpu.memory_space<hbm>> -> memref<1x2048xi32, #tpu.memory_space<hbm>>
        %dma_start3A_20 = tpu.memref_squeeze %dma_start3A_19 : memref<1x2048xi32, #tpu.memory_space<hbm>> -> memref<2048xi32, #tpu.memory_space<hbm>>
        %dma_start3A_21 = arith.constant 0 : i32
        %dma_start3A_22 = tpu.memref_slice %arg4[%add3A, %dma_start3A_21] : memref<16x2048xi32, #tpu.memory_space<hbm>> -> memref<1x2048xi32, #tpu.memory_space<hbm>>
        %dma_start3A_23 = tpu.memref_squeeze %dma_start3A_22 : memref<1x2048xi32, #tpu.memory_space<hbm>> -> memref<2048xi32, #tpu.memory_space<hbm>>
        tpu.enqueue_dma source(%arg7 : memref<2048xi32, #tpu.memory_space<vmem>>) target(%dma_start3A_23 : memref<2048xi32, #tpu.memory_space<hbm>>) target_semaphore(%run_scoped3A : memref<!tpu.dma_semaphore, #tpu.memory_space<semaphore_mem>>)
        %dma_wait3A = arith.constant 0 : i32
        %dma_wait3A_24 = tpu.memref_slice %arg4[%add3A, %dma_wait3A] : memref<16x2048xi32, #tpu.memory_space<hbm>> -> memref<1x2048xi32, #tpu.memory_space<hbm>>
        %dma_wait3A_25 = tpu.memref_squeeze %dma_wait3A_24 : memref<1x2048xi32, #tpu.memory_space<hbm>> -> memref<2048xi32, #tpu.memory_space<hbm>>
        %dma_wait3A_26 = arith.constant 0 : i32
        %dma_wait3A_27 = tpu.memref_slice %arg4[%add3A, %dma_wait3A_26] : memref<16x2048xi32, #tpu.memory_space<hbm>> -> memref<1x2048xi32, #tpu.memory_space<hbm>>
        %dma_wait3A_28 = tpu.memref_squeeze %dma_wait3A_27 : memref<1x2048xi32, #tpu.memory_space<hbm>> -> memref<2048xi32, #tpu.memory_space<hbm>>
        tpu.wait_dma2 semaphore(%run_scoped3A : memref<!tpu.dma_semaphore, #tpu.memory_space<semaphore_mem>>) src(%arg7 : memref<2048xi32, #tpu.memory_space<vmem>>) dst(%dma_wait3A_28 : memref<2048xi32, #tpu.memory_space<hbm>>)
        tpu.yield
      }) : () -> ()
      %swap3A = arith.constant 0 : index
      %swap3A_18 = tpu.vector_load %arg9[%swap3A] {strides = array<i32>} : memref<16xi32, #tpu.memory_space<vmem>>, vector<16xi32>,
      tpu.vector_store %arg9[%swap3A], %scan3A_16#0 {strides = array<i32>} : memref<16xi32, #tpu.memory_space<vmem>>, vector<16xi32>,
      "tpu.region"() ({
        %run_scoped3A = tpu.sem_alloc : memref<!tpu.dma_semaphore, #tpu.memory_space<semaphore_mem>>
        %dma_start3A = arith.constant 0 : i32
        %dma_start3A_19 = tpu.memref_slice %arg5[%add3A, %dma_start3A] : memref<16x16xi32, #tpu.memory_space<hbm>> -> memref<1x16xi32, #tpu.memory_space<hbm>>
        %dma_start3A_20 = tpu.memref_squeeze %dma_start3A_19 : memref<1x16xi32, #tpu.memory_space<hbm>> -> memref<16xi32, #tpu.memory_space<hbm>>
        %dma_start3A_21 = arith.constant 0 : i32
        %dma_start3A_22 = tpu.memref_slice %arg5[%add3A, %dma_start3A_21] : memref<16x16xi32, #tpu.memory_space<hbm>> -> memref<1x16xi32, #tpu.memory_space<hbm>>
        %dma_start3A_23 = tpu.memref_squeeze %dma_start3A_22 : memref<1x16xi32, #tpu.memory_space<hbm>> -> memref<16xi32, #tpu.memory_space<hbm>>
        tpu.enqueue_dma source(%arg9 : memref<16xi32, #tpu.memory_space<vmem>>) target(%dma_start3A_23 : memref<16xi32, #tpu.memory_space<hbm>>) target_semaphore(%run_scoped3A : memref<!tpu.dma_semaphore, #tpu.memory_space<semaphore_mem>>)
        %dma_wait3A = arith.constant 0 : i32
        %dma_wait3A_24 = tpu.memref_slice %arg5[%add3A, %dma_wait3A] : memref<16x16xi32, #tpu.memory_space<hbm>> -> memref<1x16xi32, #tpu.memory_space<hbm>>
        %dma_wait3A_25 = tpu.memref_squeeze %dma_wait3A_24 : memref<1x16xi32, #tpu.memory_space<hbm>> -> memref<16xi32, #tpu.memory_space<hbm>>
        %dma_wait3A_26 = arith.constant 0 : i32
        %dma_wait3A_27 = tpu.memref_slice %arg5[%add3A, %dma_wait3A_26] : memref<16x16xi32, #tpu.memory_space<hbm>> -> memref<1x16xi32, #tpu.memory_space<hbm>>
        %dma_wait3A_28 = tpu.memref_squeeze %dma_wait3A_27 : memref<1x16xi32, #tpu.memory_space<hbm>> -> memref<16xi32, #tpu.memory_space<hbm>>
        tpu.wait_dma2 semaphore(%run_scoped3A : memref<!tpu.dma_semaphore, #tpu.memory_space<semaphore_mem>>) src(%arg9 : memref<16xi32, #tpu.memory_space<vmem>>) dst(%dma_wait3A_28 : memref<16xi32, #tpu.memory_space<hbm>>)
        tpu.yield
      }) : () -> ()
    } else {
    }
    return
  }
}

module attributes {stable_mosaic.version = 14 : i64} {
  func.func @_argmax_block(%arg0: i32, %arg1: memref<128x16x1024xf32, #tpu.memory_space<vmem>>, %arg2: memref<16x128xi32, #tpu.memory_space<vmem>>) attributes {dimension_semantics = [#tpu.dimension_semantics<arbitrary>], iteration_bounds = array<i64: 16>, scalar_prefetch = 0 : i64, scratch_operands = 0 : i64, tpu.core_type = #tpu.core_type<tc>, window_params = [{transform_indices = @transform_0, window_bounds = array<i64: 128, 16, 1024>}, {transform_indices = @transform_1, window_bounds = array<i64: 16, 128>}]} {
    %get3A = arith.constant 0 : index
    %get3A_0 = arith.constant 0 : index
    %get3A_1 = arith.constant 0 : index
    %get3A_2 = vector.load %arg1[%get3A, %get3A_0, %get3A_1] : memref<128x16x1024xf32, #tpu.memory_space<vmem>>, vector<128x16x1024xf32>
    %reduce_max3A = arith.constant dense<0xFF800000> : vector<128x16xf32>
    %reduce_max3A_3 = vector.multi_reduction <maximumf>, %get3A_2, %reduce_max3A [2] : vector<128x16x1024xf32> to vector<128x16xf32>
    %broadcast_in_dim3A = vector.shape_cast %reduce_max3A_3 : vector<128x16xf32> to vector<128x16x1xf32>
    %iota3A = tpu.iota {dimensions = array<i32: 2>} : vector<128x16x1024xi32>
    %convert_element_type3A = arith.sitofp %iota3A : vector<128x16x1024xi32> to vector<128x16x1024xf32>
    %eq3A = vector.broadcast %broadcast_in_dim3A : vector<128x16x1xf32> to vector<128x16x1024xf32>
    %eq3A_4 = arith.cmpf oeq, %get3A_2, %eq3A : vector<128x16x1024xf32>
    %jit3A = arith.constant 1.024000e+03 : f32
    %broadcast_in_dim3A_5 = vector.broadcast %jit3A : f32 to vector<128x16x1024xf32>
    %select_n3A = arith.select %eq3A_4, %convert_element_type3A, %broadcast_in_dim3A_5 : vector<128x16x1024xi1>, vector<128x16x1024xf32>
    %reduce_min3A = arith.constant dense<0x7F800000> : vector<128x16xf32>
    %reduce_min3A_6 = vector.multi_reduction <minimumf>, %select_n3A, %reduce_min3A [2] : vector<128x16x1024xf32> to vector<128x16xf32>
    %convert_element_type3A_7 = arith.fptosi %reduce_min3A_6 : vector<128x16xf32> to vector<128x16xi32>
    %transpose3A = tpu.transpose %convert_element_type3A_7, [1, 0] : vector<128x16xi32> -> vector<16x128xi32>
    %swap3A = arith.constant 0 : index
    %swap3A_8 = arith.constant 0 : index
    %swap3A_9 = vector.load %arg2[%swap3A, %swap3A_8] : memref<16x128xi32, #tpu.memory_space<vmem>>, vector<16x128xi32>
    tpu.vector_store %arg2[%swap3A, %swap3A_8], %transpose3A {strides = array<i32>} : memref<16x128xi32, #tpu.memory_space<vmem>>, vector<16x128xi32>,
    return
  }
  func.func @transform_0(%arg0: i32) -> (i32, i32, i32) {
    %c0_i32 = arith.constant 0 : i32
    %c0_i32_0 = arith.constant 0 : i32
    %c0_i32_1 = arith.constant 0 : i32
    return %arg0, %c0_i32, %c0_i32_0 : i32, i32, i32
  }
  func.func @transform_1(%arg0: i32) -> (i32, i32) {
    %c0_i32 = arith.constant 0 : i32
    %c0_i32_0 = arith.constant 0 : i32
    return %c0_i32, %arg0 : i32, i32
  }
}

</mosaic_0001>

<sc_bundles>
// kernel: kernel.4.cloned.1.call-start
scs
__scs_entry_jumppad:
0x0: {  	(pc) =	sbr.rel $0x88, $3  }
0x1: {  	(tag) =	ssettag $0x0;
	lr =	simm.s32 $0x1  }
0x2: {  	[smem:$0x3F9F] =	sst lr;
	_ =	strace $0xD0000000  }
0x3: {  	_ = 	snop  }
0x4: {  	_ = 	snop  }
0x5: {  	_ = 	snop  }
0x6: {  	_ = 	snop  }
0x7: {  	_ = 	snop  }
__scs_overlays_trampoline_lowered:
0x8: {  	[smem:$0x3FAE] =	sst s0  }
0x9: {  	[smem:$0x3FAF] =	sst s1  }
0xa: {  	[smem:$0x3FB0] =	sst s2  }
0xb: {  	[smem:$0x3FB1] =	sst s3  }
0xc: {  	[smem:$0x3FB2] =	sst s4  }
0xd: {  	[smem:$0x3FB3] =	sst s5  }
0xe: {  	[smem:$0x3FB4] =	sst s6  }
0xf: {  	[smem:$0x3FB5] =	sst s7  }
0x10: {  	[smem:$0x3FB6] =	sst s8  }
0x11: {  	[smem:$0x3FB7] =	sst s9;
	s0 =	simm.s32 @!p0 $0x0  }
0x12: {  	s1 =	sld [smem:$0x3F9D];
	s0 =	simm.s32 @p0 $0x1  }
0x13: {  	[smem:$0x3FB8] =	sst s0;
	s0 =	simm.s32 @!p1 $0x0  }
0x14: {  	s2 =	sld [smem:$0x3F9C];
	s0 =	simm.s32 @p1 $0x1  }
0x15: {  	[smem:$0x3FB9] =	sst s0;
	s0 =	simm.s32 @!p2 $0x0  }
0x16: {  	s3 =	sld [smem:$0x3FDB];
	s0 =	simm.s32 @p2 $0x1  }
0x17: {  	s4 =	simm.s32 $0x1BF5;
	[smem:$0x3FBB] =	sst s0  }
0x18: {  	s0 =	sld [smem:$0x3F9E];
	_ =	swait.ge [sflag:s4], $0x0  }
0x19: {  	s7 =	sld [smem:$0x3F9F]  }
0x1a: {  	s8 =	sadd.s32 $0xFFFFE003, lr  }
0x1b: {  	s9 =	sadd.s32 $0xFFFFFEF7, lr;
	s5 =	simm.s32 $0xFFFFFFFF;
	p2 =	slt.u32 s8, $0xFFFFF086  }
0x1c: {  	p1 =	slt.u32 s9, $0xF7A;
	s5 =	simm.s32 @!p2 $0x0  }
0x1d: {  	s5 =	simm.s32 @p1 $0x1;
	p0 =	seq.s32 s7, s2  }
0x1e: {  	s7 =	smul.u32 @!p0 $0xF7A, s2;
	p2 =	seq.s32 @!p0 s5, $0x0  }
0x1f: {  	s9 =	smul.u32 $0xF7A, s1;
	s8 =	simm.s32 @!p0 $0x1BF5;
	p2 =	por !p2, p0  }
0x20: {  	[sflag:s8] =	ssyncset.s32 @!p0 $0xFFFFF086;
	s6 =	sadd.s32 @!p0 s3, s7;
	s7 =	simm.s32 @!p0 $0x108  }
0x21: {  	s3 =	sadd.s32 s3, s9;
	s6 =	sadd.s32 @!p0 $0x88, s6;
	s7 =	simm.s32 @p2 $0x1082  }
0x22: {  	[simem:s7], [sflag:s8] =	dma.local @!p0 [hbm:s6], $0xF7A  }
0x23: {  	s9 =	sor.u32 $0xD0000000, s2;
	s6 =	simm.s32 $0x108;
	_ =	swait.ge @!p0 [sflag:s8], $0x0  }
0x24: {  	s3 =	sadd.s32 $0x88, s3;
	s6 =	simm.s32 @!p1 $0x1082;
	[sflag:s4] =	ssyncset.s32 $0xFFFFF086  }
0x25: {  	[simem:s6], [sflag:s4] =	dma.local [hbm:s3], $0xF7A  }
0x26: {  	[smem:$0x3F9F] =	sst s1;
	(tag) =	ssettag s2;
	_ =	strace s9  }
0x27: {  	s1 =	sld [smem:$0x3FAF]  }
0x28: {  	s2 =	sld [smem:$0x3FB0]  }
0x29: {  	s4 =	sld [smem:$0x3FB2]  }
0x2a: {  	p0 =	seq.s32 s5, $0x0;
	s5 =	sld [smem:$0x3FB3]  }
0x2b: {  	s6 =	sld [smem:$0x3FB4]  }
0x2c: {  	s7 =	sld [smem:$0x3FB5]  }
0x2d: {  	s3 =	simm.s32 $0x108;
	s8 =	sld [smem:$0x3FB6]  }
0x2e: {  	s3 =	simm.s32 @!p0 $0x1082;
	s9 =	sld [smem:$0x3FB7]  }
0x2f: {  	lr =	sadd.s32 s0, s3;
	s0 =	sld [smem:$0x3FAE]  }
0x30: {  	s3 =	sld [smem:$0x3FB1]  }
0x31: {  	[smem:$0x3FBA] =	sst s10  }
0x32: {  	s10 =	sld [smem:$0x3FB8];
	_ =	sdelay $0x3  }
0x33: {  	p0 =	seq.s32 s10, $0x1;
	s10 =	sld [smem:$0x3FBA];
	_ =	sdelay $0x3  }
0x34: {  	[smem:$0x3FBA] =	sst s10  }
0x35: {  	s10 =	sld [smem:$0x3FB9];
	_ =	sdelay $0x3  }
0x36: {  	p1 =	seq.s32 s10, $0x1;
	s10 =	sld [smem:$0x3FBA];
	_ =	sdelay $0x3  }
0x37: {  	[smem:$0x3FBA] =	sst s10  }
0x38: {  	s10 =	sld [smem:$0x3FBB]  }
0x39: {  	_ = 	snop;
	(pc) =	sbr.ind lr, $3  }
0x3a: {  	_ = 	snop  }
0x3b: {  	_ = 	snop  }
0x3c: {  	p2 =	seq.s32 s10, $0x1;
	s10 =	sld [smem:$0x3FBA]  }
0x3d: {  	_ =	shalt  }
0x3e: {  	_ =	shalt  }
0x3f: {  	_ =	shalt  }
0x40: {  	_ =	shalt  }
0x41: {  	_ =	shalt  }
0x42: {  	_ =	shalt  }
0x43: {  	_ =	shalt  }
0x44: {  	_ =	shalt  }
0x45: {  	_ =	shalt  }
0x46: {  	_ =	shalt  }
0x47: {  	_ =	shalt  }
0x48: {  	_ =	shalt  }
0x49: {  	_ =	shalt  }
0x4a: {  	_ =	shalt  }
0x4b: {  	_ =	shalt  }
0x4c: {  	_ =	shalt  }
0x4d: {  	_ =	shalt  }
0x4e: {  	_ =	shalt  }
0x4f: {  	_ =	shalt  }
0x50: {  	_ =	shalt  }
0x51: {  	_ =	shalt  }
0x52: {  	_ =	shalt  }
0x53: {  	_ =	shalt  }
0x54: {  	_ =	shalt  }
0x55: {  	_ =	shalt  }
0x56: {  	_ =	shalt  }
0x57: {  	_ =	shalt  }
0x58: {  	_ =	shalt  }
0x59: {  	_ =	shalt  }
0x5a: {  	_ =	shalt  }
0x5b: {  	_ =	shalt  }
0x5c: {  	_ =	shalt  }
0x5d: {  	_ =	shalt  }
0x5e: {  	_ =	shalt  }
0x5f: {  	_ =	shalt  }
0x60: {  	_ =	shalt  }
0x61: {  	_ =	shalt  }
0x62: {  	_ =	shalt  }
0x63: {  	_ =	shalt  }
0x64: {  	_ =	shalt  }
0x65: {  	_ =	shalt  }
0x66: {  	_ =	shalt  }
0x67: {  	_ =	shalt  }
0x68: {  	_ =	shalt  }
0x69: {  	_ =	shalt  }
0x6a: {  	_ =	shalt  }
0x6b: {  	_ =	shalt  }
0x6c: {  	_ =	shalt  }
0x6d: {  	_ =	shalt  }
0x6e: {  	_ =	shalt  }
0x6f: {  	_ =	shalt  }
0x70: {  	_ =	shalt  }
0x71: {  	_ =	shalt  }
0x72: {  	_ =	shalt  }
0x73: {  	_ =	shalt  }
0x74: {  	_ =	shalt  }
0x75: {  	_ =	shalt  }
0x76: {  	_ =	shalt  }
0x77: {  	_ =	shalt  }
0x78: {  	_ =	shalt  }
0x79: {  	_ =	shalt  }
0x7a: {  	_ =	shalt  }
0x7b: {  	_ =	shalt  }
0x7c: {  	_ =	shalt  }
0x7d: {  	_ =	shalt  }
0x7e: {  	_ =	shalt  }
0x7f: {  	_ =	shalt  }
0x80: {  	_ =	shalt  }
0x81: {  	_ =	shalt  }
0x82: {  	_ =	shalt  }
0x83: {  	_ =	shalt  }
0x84: {  	_ =	shalt  }
0x85: {  	_ =	shalt  }
0x86: {  	_ =	shalt  }
0x87: {  	_ =	shalt  }
.Lfunc_end0:
.L_simem_size_0:
called_computation_lowered:
.L_overlay_start_0:
0x88: {  	s2 =	sld [smem:$0x3FD9]  }
0x89: {  	s3 =	sld [smem:$0x3FFE];
	_ =	sdelay $0x1  }
0x8a: {  	s1 =	srdreg.scid  }
0x8b: {  	s0 =	sand.u32 $0x1, s1  }
0x8c: {  	s14 =	sshll.u32 s0, $0xA;
	s2 =	sadd.s32 s3, s2  }
0x8d: {  	s2 =	sadd.s32 s2, s14  }
0x8e: {  	[smem:$0x3FC6] =	sst s2  }
0x8f: {  	_ = 	snop  }
0x90: {  	s2 =	sld [smem:$0x3FD0];
	_ =	sdelay $0x2  }
0x91: {  	s4 =	simm.s32 $0xA;
	s5 =	simm.s32 $0x10;
	s15 =	sld [smem:$0x3FC8]  }
0x92: {  	[smem:s5], [sflag:s4] =	dma.local [hbm:s2], $0x1  }
0x93: {  	_ =	swait.eq [sflag:s4], $0x1  }
0x94: {  	[sflag:s4] =	ssyncset.done $0x0  }
0x95: {  	[sflag:s4] =	ssyncadd.s32 $0xFFFFFFFF  }
0x96: {  	s16 =	sld [smem:$0x10];
	(tm) =	ssettm $0x1  }
0x97: {  	s17 =	sld [smem:$0x3FFB];
	_ =	sdelay $0x3  }
0x98: {  	_ =	strace s17  }
0x99: {  	s4 =	sld [smem:$0x3FFC];
	_ =	sdelay $0x3  }
0x9a: {  	_ =	strace s4  }
0x9b: {  	s4 =	sld [smem:$0x3FFD];
	_ =	sdelay $0x3  }
0x9c: {  	_ =	strace s4  }
0x9d: {  	_ =	strace $0x8FFFFFFF  }
0x9e: {  	s18 =	sld [smem:$0x3FDB];
	_ =	sdelay $0x1  }
0x9f: {  	s19 =	simm.s32 $_scs_section_size  }
0xa0: {  	s6 =	simm.s32 $_size__tile_overlayer_lowered;
	s7 =	simm.s32 $_tile_overlayer_lowered  }
0xa1: {  	s22 =	simm.s32 $0x1BFF;
	s21 =	sshll.u32 s7, $0x1;
	s4 =	sadd.s32 s19, s18  }
0xa2: {  	s8 =	simm.s32 $0x0;
	s20 =	sshll.u32 s6, $0x1;
	s6 =	sadd.s32 s21, s4  }
0xa3: {  	[timem:s8], [sflag:s22] =	dma.local [hbm:s6], s20  }
0xa4: {  	_ =	swait.ge [sflag:s22], s20  }
0xa5: {  	s5 =	ssub.s32 $0x0, s20;
	[sflag:s22] =	ssyncset.done $0x0  }
0xa6: {  	[sflag:s22] =	ssyncadd.s32 s5;
	_ =	sdelay $0x1  }
0xa7: {  	s23 =	simm.s32 $0x1B8B  }
0xa8: {  	_ =	swait.ge [sflag:s23], $0x1  }
0xa9: {  	[sflag:s23] =	ssyncset.done $0x0  }
0xaa: {  	s25 =	simm.s32 $0x1B8E;
	s24 =	sld [smem:$0x3FFE];
	[sflag:s23] =	ssyncadd.s32 $0xFFFFFFFF  }
0xab: {  	s26 =	simm.s32 $execute0_lowered;
	[smem:$0x3FD2] =	sst s25  }
0xac: {  	s6 =	sshll.u32 s26, $0x1;
	_ =	strace $0x80000046;
	[dreg:$0x1] =	wrdreg $0xFFFFFFFF  }
0xad: {  	s28 =	simm.s32 $_size_execute0_lowered;
	s4 =	sadd.s32 s4, s6;
	[dreg:$0x0] =	wrdreg $0x0  }
0xae: {  	s6 =	sshll.u32 s28, $0x1;
	[dreg:$0x2] =	wrdreg s4  }
0xaf: {  	[dreg:$0x3] =	wrdreg s6  }
0xb0: {  	[dreg:$0x4] =	wrdreg $0xC0  }
0xb1: {  	_ =	task [dreg:s8], $0x5FFFF  }
0xb2: {  	[dreg:$0x1] =	wrdreg $0xFFFFFFFF  }
0xb3: {  	[dreg:$0x0] =	wrdreg $0x60  }
0xb4: {  	[dreg:$0x2] =	wrdreg s24  }
0xb5: {  	[dreg:$0x3] =	wrdreg s15  }
0xb6: {  	[dreg:$0x4] =	wrdreg s16  }
0xb7: {  	[dreg:$0x5] =	wrdreg $0x9  }
0xb8: {  	_ =	task.clear_ibuf [dreg:s8], $0x6FFFF;
	_ =	strace $0x90000046  }
0xb9: {  	s29 =	simm.s32 $0x9;
	_ =	strace $0x80000048  }
0xba: {  	_ =	swait.ge [sflag:s29], $0x1  }
0xbb: {  	[sflag:s29] =	ssyncadd.s32 $0xFFFFFFFF  }
0xbc: {  	_ =	strace $0x90000048  }
0xbd: {  	_ =	sfence  }
0xbe: {  	s30 =	sld [smem:$0x0];
	_ =	sdelay $0x2  }
0xbf: {  	s31 =	sshll.u32 s1, $0xD;
	s1 =	sshrl.u32 s1, $0x2  }
0xc0: {  	s3 =	sand.u32 $0x4000, s31;
	s1 =	sadd.s32 s1, s30  }
0xc1: {  	s0 =	sor.u32 s3, s0;
	s1 =	sshll.u32 s1, $0x11  }
0xc2: {  	s0 =	sor.u32 s1, s0  }
0xc3: {  	s0 =	sadd.s32 $0x8F2B, s0  }
0xc4: {  	[sflag:s0] =	ssyncadd.remote.s32 $0x1  }
0xc5: {  	_ =	sfence.sel $0xFFFF  }
0xc6: {  	[dreg:$0x0] =	wrdreg $0xFFFFFFFF;
	(pc) =	sbr.abs _section_cstart, $3  }
0xc7: {  	[dreg:$0x1] =	wrdreg $0xFFFFFFFF  }
0xc8: {  	_ =	task.clear_ibuf [dreg:s8], $0x2FFFF;
	_ =	strace $0x9FFFFFFF  }
0xc9: {  	(tm) =	ssettm $0x7FFFFFFF  }
tec
execute0_lowered:
.L_overlay_start_1:
0x0: {  	(tag) =	ssettag $0x1  }
0x1: {  	s1 =	stileid.u32  }
0x2: {  	p0 =	sgt.u32 s1, $0x7  }
.Ltmp0:
0x3: {  	s5 =	rddreg [dreg:$0x0];
	(pc) =	sbr.rel @p0 .LBB2_5-.Ltmp0, $4  }
0x4: {  	s2 =	rddreg [dreg:$0x1]  }
0x5: {  	s4 =	rddreg [dreg:$0x2];
	s3 =	simm.s32 $0x0  }
0x6: {  	[smem:$0x7FF] =	sst s3  }
0x7: {  	s0 =	rddreg [dreg:$0x3];
	_ =	strace $0x80000047  }
0x8: {  	s6 =	srdreg.scid;
	s7 =	sshll.u32 s1, $0x1  }
0x9: {  	s8 =	sshrl.u32 s1, $0x2;
	s11 =	sadd.s32 $0x600, s5;
	s6 =	sand.u32 $0x1, s6  }
0xa: {  	s12 =	simm.s32 $0x800;
	s13 =	simm.s32 $0x1080;
	s7 =	sor.u32 s6, s7  }
0xb: {  	v0 =	vimm.s32 $0xEDCBA987;
	s14 =	simm.s32 $0x0;
	s10 =	sshll.u32 s8, $0xA;
	s9 =	sshll.u32 s7, $0x7  }
0xc: {  	v1 =	vimm.s32 $0x65432100;
	s8 =	sshll.u32 s8, $0xE;
	v0 =	vunpack.c.l.s4.s8 v0;
	s6 =	ssub.s32 $0x2, s6;
	s9 =	sand.u32 $0x380, s9  }
0xd: {  	v1 =	vunpack.c.l.s4.s8 v1;
	s31 =	sshrl.u32 s6, $0x1;
	s10 =	sor.u32 s10, s9;
	s8 =	sor.u32 s8, s9  }
0xe: {  	v2 =	vunpack.c.0.s8.s32 v0;
	s9 =	ssub.s32 s6, s31;
	s10 =	sshrl.u32 s10, $0x3;
	s8 =	sshrl.u32 s8, $0x3  }
0xf: {  	vm0 =	vmmov $0x1;
	v3 =	vunpack.c.0.s8.s32 v1;
	v0 =	vmov s7;
	s7 =	smax.u32 s9, $0x1;
	s9 =	simm.s32 $0x400;
	s30 =	sadd.s32 s10, s5  }
0x10: {  	v5 =	vimm.s32 $0xF;
	v1 =	vimm.s32 $0xFFFFFFFF;
	v4 =	vand.u32 $0xF, v2;
	s4 =	sadd.s32 s4, s8;
	s6 =	sadd.s32 s11, s8;
	s8 =	simm.s32 $0x80  }
0x11: {  	v2 =	vlaneseq.u32;
	v3 =	vcombine.low v3, v4;
	v4 =	vimm.s32 $0x0;
	s10 =	simm.s32 $0x1;
	s11 =	simm.s32 $0x1000;
	s5 =	sadd.s32 $0x1600, s30  }
.LBB2_2:
0x12: {  	s15 =	simm.s32 $0x0  }
0x13: {  	[tilespmem:s15], [sflag:$0x1] =	stream.strided.gather [hbm4b:s6+s8], $0x800, s9, s8, $0x38;
	[tilespmem:$0x1100] =	vst v63  }
0x14: {  	_ =	swait.ge [sflag:s10], $0x800  }
0x15: {  	[sflag:s10] =	ssyncset.done $0x0  }
0x16: {  	[sflag:s10] =	ssyncadd.s32 $0xFFFFF800  }
0x17: {  	[tilespmem:s11], [sflag:$0x1] =	stream.linear.gather [hbm4b:s2+s15], $0x80, $0x38;
	[tilespmem:$0x1100] =	vst v63  }
0x18: {  	_ =	swait.ge [sflag:s10], $0x80  }
0x19: {  	[sflag:s10] =	ssyncset.done $0x0  }
0x1a: {  	[sflag:s10] =	ssyncadd.s32 $0xFFFFFF80  }
0x1b: {  	s17 =	simm.s32 $0x10;
	v8 =	vimm.s32 $0x0;
	s16 =	simm.s32 $0x0;
	v6 =	vimm.s32 $0x0;
	s18 =	simm.s32 $0x800;
	v7 =	vld.idx.msk [tilespmem:v0+s11+$0x0], $0xffff;
	[tilespmem:s12+$0x0] =	vst v1  }
.LBB2_3:
0x1c: {  	p0 =	sne.s32 s17, $0x7F0;
	v9 =	vld [tilespmem:s15+$0x0];
	_ =	sdelay $0x4  }
0x1d: {  	v10 =	vperm.xlane v9, v3;
	v11 =	vperm.xlane v9, v5;
	_ =	sdelay $0x1  }
0x1e: {  	v10 =	vsel vm0, v8, v10;
	v8 =	vmov v11  }
0x1f: {  	vm1 =	veq.s32 v10, $0x0;
	vm2 =	vne.s32 v9, v10  }
0x20: {  	vm3 =	vne.s32 v9, $0x0;
	v10 =	vor.u32 s16, v2;
	s16 =	smov.u32 s17;
	vm1 =	vmor vm1, vm2  }
0x21: {  	vm2 =	vlt.s32 v10, v7;
	vm1 =	vmand vm3, vm1  }
0x22: {  	vm1 =	vmand vm2, vm1  }
0x23: {  	v10 =	vsel vm1, $0x1, v4  }
0x24: {  	(xrf0) =	vadd.scan.msk.s32 $0xffff, v10;
	_ =	sdelay $0x5  }
0x25: {  	v10, _, _ =	vpop (xrf0)  }
0x26: {  	v11 =	vadd.s32 v10, v6;
	v10 =	vperm.xlane v10, v5  }
0x27: {  	v11 =	vadd.s32 $0xFFFFFFFF, v11  }
0x28: {  	v11 =	vnsel vm1, $0x0, v11;
	v6 =	vadd.s32 v6, v10;
	_ =	sdelay $0x1  }
.Ltmp1:
0x29: {  	(pc) =	sbr.rel @p0 .LBB2_3-.Ltmp1, $3  }
0x2a: {  	_ =	sdelay $0x1  }
0x2b: {  	s18 =	sadd.s32 $0x10, s18;
	[tilespmem:v11+s12+$0x0] =	vst.idx.msk vm1, v9  }
0x2c: {  	s15 =	sadd.s32 $0x10, s15;
	s17 =	sadd.s32 $0x10, s17;
	[tilespmem:s18+$0x0] =	vst v1  }
0x2d: {  	v9 =	vld [tilespmem:s15+$0x0];
	_ =	sdelay $0x4  }
0x2e: {  	v10 =	vperm.xlane v9, v3;
	_ =	sdelay $0x1  }
0x2f: {  	v8 =	vsel vm0, v8, v10  }
0x30: {  	vm1 =	veq.s32 v8, $0x0;
	vm2 =	vne.s32 v9, v8  }
0x31: {  	v62 =	vor.u32 s16, v2;
	vm3 =	vne.s32 v9, $0x0;
	vm1 =	vmor vm1, vm2  }
0x32: {  	vm2 =	vlt.s32 v62, v7;
	vm1 =	vmand vm3, vm1  }
0x33: {  	vm1 =	vmand vm2, vm1  }
0x34: {  	v7 =	vsel vm1, $0x1, v4  }
0x35: {  	(xrf0) =	vadd.scan.msk.s32 $0xffff, v7;
	_ =	sdelay $0x5  }
0x36: {  	v7, _, _ =	vpop (xrf0)  }
0x37: {  	v63 =	vadd.s32 v7, v6  }
0x38: {  	v8 =	vadd.s32 $0xFFFFFFFF, v63  }
0x39: {  	v8 =	vnsel vm1, $0x0, v8;
	_ =	sdelay $0x4  }
0x3a: {  	[tilespmem:v8+s12+$0x0] =	vst.idx.msk vm1, v9  }
0x3b: {  	[hbm4b:s4+s8] =	stream.strided.scatter [tilespmem:s12], [sflag:$0x1], $0x800, s9, s8, $0x38;
	[tilespmem:$0x1100] =	vst v63  }
0x3c: {  	v7 =	vperm.xlane v7, v5;
	_ =	swait.ge [sflag:s10], $0x800  }
0x3d: {  	s14 =	sadd.s32 $0x1, s14;
	[sflag:s10] =	ssyncset.done $0x0  }
0x3e: {  	p0 =	sne.s32 s14, s7;
	v6 =	vadd.s32 v6, v7;
	[sflag:s10] =	ssyncadd.s32 $0xFFFFF800  }
.Ltmp2:
0x3f: {  	[tilespmem:$0x1080] =	vst v6;
	(pc) =	sbr.rel @p0 .LBB2_2-.Ltmp2, $4  }
0x40: {  	[hbm4b:s5+s3] =	stream.linear.scatter [tilespmem:s13], [sflag:$0x1], $0x80, $0x38;
	[tilespmem:$0x1100] =	vst v63  }
0x41: {  	_ =	swait.ge [sflag:s10], $0x80  }
0x42: {  	[sflag:s10] =	ssyncset.done $0x0  }
0x43: {  	[sflag:s10] =	ssyncadd.s32 $0xFFFFFF80  }
.LBB2_5:
0x44: {  	_ =	sfence.sel $0x180000  }
0x45: {  	[bflag:$0x0] =	sbarrier.arrive $0xFFFF  }
0x46: {  	p0 =	sne.s32 s1, $0x0;
	_ =	strace $0x90000047  }
0x47: {  	s0 =	sadd.s32 @!p0 $0x100000, s0;
	[bflag:$0x2] =	sbarrier.arrive $0xFFFF  }
0x48: {  	[sflag:s0] =	ssyncadd.tile.s32 @!p0 $0x1;
	_ =	shalt  }
.Lfunc_end2:
_tile_overlayer_lowered:
.L_overlay_start_2:
0x49: {  	(tag) =	ssettag $0x2  }
0x4a: {  	s0 =	rddreg [dreg:$0x0];
	s2 =	stileid.u32  }
0x4b: {  	s1 =	rddreg [dreg:$0x1];
	p0 =	sne.s32 s2, $0x0  }
0x4c: {  	s3 =	rddreg [dreg:$0x2];
	[bflag:$0x3] =	sbarrier.arrive $0xFFFF;
	s2 =	simm.s32 @!p0 $0x1C01  }
0x4d: {  	[timem:s3], [sflag:s2] =	dma.local @!p0 [hbm:s0], s1  }
0x4e: {  	s0 =	simm.s32 @!p0 $0x1  }
0x4f: {  	_ =	swait.ge @!p0 [sflag:s0], s1  }
0x50: {  	s1 =	ssub.s32 @!p0 $0x0, s1;
	[sflag:s0] =	ssyncset.done @!p0 $0x0  }
0x51: {  	[sflag:s0] =	ssyncadd.s32 @!p0 s1  }
0x52: {  	[bflag:$0x3] =	sbarrier.arrive $0xFFFF  }
0x53: {  	_ =	shalt  }

</sc_bundles>
